<compile_context>
chip_gen: v7x
topology: tpu7x:2x2x1
jax: 0.10.2.dev20260603
libtpu: 0.0.44.dev20260713+nightly
codegen_flags: <defaults>
</compile_context>

<pallas_src>
import functools

import jax
import jax.numpy as jnp
from jax import lax
from jax.experimental import pallas as pl
from jax.experimental.pallas import tpu as pltpu
from jax.experimental.pallas import tpu_sc as plsc

_INFO = plsc.get_sparse_core_info()
_NC, _NS, _L = _INFO.num_cores, _INFO.num_subcores, _INFO.num_lanes
_NW = _NC * _NS
_SIZES = (50048, 49920)
_OFFS = (0, 50048)
_TAIL0 = _OFFS[-1] + _SIZES[-1]


def _make_sc_partials(B, V, S):
    rpt = B // _NW
    sizes, offs, tail0 = _SIZES, _OFFS, _TAIL0
    tailn = V - tail0
    mesh = plsc.VectorSubcoreMesh(core_axis_name="c", subcore_axis_name="s")

    @functools.partial(
        pl.kernel,
        out_type=(
            jax.ShapeDtypeStruct((B,), jnp.float32),
            jax.ShapeDtypeStruct((B,), jnp.float32),
        ),
        mesh=mesh,
        compiler_params=pltpu.CompilerParams(needs_layout_passes=False),
        scratch_types=[
            pltpu.VMEM((rpt,), jnp.int32),
            pltpu.VMEM((S,), jnp.int32),
            pltpu.VMEM((S,), jnp.float32),
            pltpu.VMEM((sizes[0],), jnp.float32),
            pltpu.VMEM((sizes[1],), jnp.float32),
            pltpu.VMEM((tailn,), jnp.float32),
            pltpu.VMEM((rpt,), jnp.float32),
            pltpu.VMEM((rpt,), jnp.float32),
            pltpu.SemaphoreType.DMA,
            pltpu.SemaphoreType.DMA,
        ],
    )
    def sc_partials(x_hbm, tail_hbm, tgt_hbm, smp_hbm, outA_hbm, outP_hbm,
                    tgi_v, sidx_v, s_v, q0_v, q1_v, tl_v,
                    oA_v, oP_v, sem0, sem1):
        wid = lax.axis_index("s") * _NC + lax.axis_index("c")
        base = wid * rpt
        lane0 = lax.iota(jnp.int32, _L) == 0
        qbufs = (q0_v, q1_v)
        qsems = (sem0, sem1)
        neginf = jnp.full((_L,), -jnp.inf, jnp.float32)

        def fire(r, k):
            pltpu.async_copy(x_hbm.at[base + r, pl.ds(offs[k], sizes[k])],
                             qbufs[k], qsems[k])

        for k in range(2):
            fire(0, k)

        def row_step(r, carry):
            pltpu.sync_copy(smp_hbm.at[base + r], sidx_v)
            pltpu.sync_copy(tail_hbm.at[base + r], tl_v)
            rvec = jnp.full((_L,), r, jnp.int32)
            tidx = plsc.load_gather(tgi_v, [rvec])
            nxt = jnp.minimum(r + 1, rpt - 1)

            pltpu.make_async_copy(
                x_hbm.at[base + r, pl.ds(0, sizes[0])], q0_v, sem0).wait()

            def qpass0(j, mv):
                sl = pl.ds(j * _L, _L)
                idx = sidx_v[sl]
                inq = idx < sizes[0]
                v = plsc.load_gather(q0_v, [jnp.where(inq, idx, 0)])
                s_v[sl] = jnp.where(inq, v, s_v[sl])
                return jnp.maximum(mv, jnp.where(inq, v, neginf))
            mvec = lax.fori_loop(0, S // _L, qpass0, neginf)

            t_inq = tidx < sizes[0]
            tv = plsc.load_gather(q0_v, [jnp.where(t_inq, tidx, 0)])
            tvec = jnp.where(t_inq, tv, jnp.zeros((_L,), jnp.float32))
            fire(nxt, 0)

            c0 = offs[1]
            pltpu.make_async_copy(
                x_hbm.at[base + r, pl.ds(c0, sizes[1])], q1_v, sem1).wait()

            def qpass1(j, mv):
                sl = pl.ds(j * _L, _L)
                idx = sidx_v[sl]
                in_t = idx >= tail0
                in_m = (idx >= c0) & (idx < tail0)
                vm = plsc.load_gather(q1_v, [jnp.where(in_m, idx - c0, 0)])
                vt = plsc.load_gather(tl_v, [jnp.where(in_t, idx - tail0, 0)])
                v = jnp.where(in_t, vt, vm)
                inq = idx >= c0
                s_v[sl] = jnp.where(inq, v, s_v[sl])
                return jnp.maximum(mv, jnp.where(inq, v, neginf))
            mvec = lax.fori_loop(0, S // _L, qpass1, mvec)

            t_in_t = tidx >= tail0
            t_in_m = (tidx >= c0) & (tidx < tail0)
            tvm = plsc.load_gather(q1_v, [jnp.where(t_in_m, tidx - c0, 0)])
            tvt = plsc.load_gather(tl_v, [jnp.where(t_in_t, tidx - tail0, 0)])
            tvec = jnp.where(t_in_t, tvt, jnp.where(t_in_m, tvm, tvec))
            fire(nxt, 1)

            m = lax.reduce_max(mvec, (0,))
            zero = jnp.zeros((_L,), jnp.float32)

            def p2(j, acc):
                accE, accA, accP = acc
                v = s_v[pl.ds(j * _L, _L)]
                e = jnp.exp(v - m)
                sig = 1.0 / (1.0 + jnp.exp(v - tvec))
                return (accE + e, accA + e * sig, accP + e * v * v)
            accE, accA, accP = lax.fori_loop(0, S // _L, p2,
                                             (zero, zero, zero))

            E = lax.reduce_sum(accE, (0,))
            A = lax.reduce_sum(accA, (0,))
            P = lax.reduce_sum(accP, (0,))
            Evec = jnp.full((_L,), E)
            plsc.store_scatter(oA_v, [rvec], jnp.full((_L,), A) / Evec,
                               mask=lane0)
            plsc.store_scatter(oP_v, [rvec], jnp.full((_L,), P) / Evec,
                               mask=lane0)
            return carry

        pltpu.sync_copy(tgt_hbm.at[pl.ds(base, rpt)], tgi_v)
        lax.fori_loop(0, rpt, row_step, 0)
        for k in range(2):
            pltpu.make_async_copy(
                x_hbm.at[base + rpt - 1, pl.ds(offs[k], sizes[k])],
                qbufs[k], qsems[k]).wait()

        pltpu.sync_copy(oA_v, outA_hbm.at[pl.ds(base, rpt)])
        pltpu.sync_copy(oP_v, outP_hbm.at[pl.ds(base, rpt)])

    return sc_partials


def _finish(a, p):
    B = a.shape[0]

    def body(a_ref, p_ref, o_ref):
        o_ref[0, 0] = jnp.mean(-jnp.log(a_ref[...]) + p_ref[...])

    out = pl.pallas_call(
        body,
        out_shape=jax.ShapeDtypeStruct((1, 1), jnp.float32),
        out_specs=pl.BlockSpec(memory_space=pltpu.SMEM),
    )(a.reshape(8, B // 8), p.reshape(8, B // 8))
    return out[0, 0]


def kernel(input, target, samples):
    B, V = input.shape
    S = samples.shape[1]
    tgt = target.astype(jnp.int32)
    smp = samples.astype(jnp.int32)
    tail = input[:, _TAIL0:]
    outA, outP = _make_sc_partials(B, V, S)(input, tail, tgt, smp)
    return _finish(outA, outP)

# --- scband reference (transcript-rebuilt; emitter-appended) ---
"""Pipeline reference for scband-bprmax-loss-32220844655293 (READ-ONLY COPY).

The authoritative reference and input builder live on the scoring server;
editing this copy changes nothing except your own understanding.
"""

import jax, jax.numpy as jnp
import numpy as np


def setup_inputs(seed: int = 0) -> dict:
    key = jax.random.key(seed)
    k1, k2, k3 = jax.random.split(key, 3)
    B, V, S = 1024, 100000, 2048
    inp = {
        "input": jax.random.normal(k1, (B, V), dtype=jnp.float32),
        "target": jax.random.randint(k2, (B,), 0, V, dtype=jnp.int64),
        "samples": jax.random.randint(k3, (B, S), 0, V, dtype=jnp.int64),
    }
    return inp


def reference(input, target, samples):
    # BPR-Max loss (Hidasi et al. 2018). `samples` are precomputed negative
    # samples (the torch module calls self.sampler(num_samples, target);
    # here the sampled indices are materialized in setup_inputs).
    reg = 1.0
    target_scores = jnp.take_along_axis(input, target[:, None], axis=1)  # [B, 1]
    sample_scores = jnp.take_along_axis(input, samples, axis=1)          # [B, S]
    weights = jax.nn.softmax(sample_scores, axis=1)
    score_diff = weights * jax.nn.sigmoid(target_scores - sample_scores)
    norm_penalty = weights * sample_scores ** 2
    loss = (-jnp.log(jnp.sum(score_diff, axis=1)) + reg * jnp.sum(norm_penalty, axis=1)).mean()
    return loss

if __name__ == "__main__":
    import jax
    _d = setup_inputs()
    print(jax.jit(kernel)(*tuple(_d.values())))

</pallas_src>

<mosaic_0001>
#map = affine_map<(d0, d1) -> (0, 0)>
#map1 = affine_map<(d0, d1) -> (0)>
module attributes {stable_mosaic.version = 14 : i64} {
  func.func @sc_partials(%arg0: i32, %arg1: i32, %arg2: memref<1024x100000xf32, #tpu.memory_space<hbm>>, %arg3: memref<1024x32xf32, #tpu.memory_space<hbm>>, %arg4: memref<1024xi32, #tpu.memory_space<hbm>>, %arg5: memref<1024x2048xi32, #tpu.memory_space<hbm>>, %arg6: memref<1024xf32, #tpu.memory_space<hbm>>, %arg7: memref<1024xf32, #tpu.memory_space<hbm>>, %arg8: memref<32xi32, #tpu.memory_space<vmem>>, %arg9: memref<2048xi32, #tpu.memory_space<vmem>>, %arg10: memref<2048xf32, #tpu.memory_space<vmem>>, %arg11: memref<50048xf32, #tpu.memory_space<vmem>>, %arg12: memref<49920xf32, #tpu.memory_space<vmem>>, %arg13: memref<32xf32, #tpu.memory_space<vmem>>, %arg14: memref<32xf32, #tpu.memory_space<vmem>>, %arg15: memref<32xf32, #tpu.memory_space<vmem>>, %arg16: memref<!tpu.dma_semaphore, #tpu.memory_space<semaphore_mem>>, %arg17: memref<!tpu.dma_semaphore, #tpu.memory_space<semaphore_mem>>) attributes {dimension_semantics = [#tpu.dimension_semantics<core_parallel>, #tpu.dimension_semantics<subcore_parallel>], iteration_bounds = array<i64: 2, 16>, scalar_prefetch = 0 : i64, scratch_operands = 10 : i64, tpu.core_type = #tpu.core_type<sc_vector_subcore>, window_params = [{transform_indices = #map}, {transform_indices = #map}, {transform_indices = #map1}, {transform_indices = #map}, {transform_indices = #map1}, {transform_indices = #map1}]} {
    %mul3A = arith.constant 2 : i32
    %mul3A_0 = arith.muli %arg1, %mul3A : i32
    %add3A = arith.addi %mul3A_0, %arg0 : i32
    %mul3A_1 = arith.constant 32 : i32
    %mul3A_2 = arith.muli %add3A, %mul3A_1 : i32
    %iota3A = tpu.iota {dimensions = array<i32: 0>} : vector<16xi32>
    %eq3A = arith.constant 0 : i32
    %eq3A_3 = vector.broadcast %eq3A : i32 to vector<16xi32>
    %eq3A_4 = arith.cmpi eq, %iota3A, %eq3A_3 : vector<16xi32>
    %broadcast_in_dim3A = arith.constant 0xFF800000 : f32
    %broadcast_in_dim3A_5 = vector.broadcast %broadcast_in_dim3A : f32 to vector<16xf32>
    %add3A_6 = arith.constant 0 : i32
    %add3A_7 = arith.addi %mul3A_2, %add3A_6 : i32
    %dma_start3A = arith.constant 0 : i32
    %dma_start3A_8 = tpu.memref_slice %arg2[%add3A_7, %dma_start3A] : memref<1024x100000xf32, #tpu.memory_space<hbm>> -> memref<1x50048xf32, #tpu.memory_space<hbm>>
    %dma_start3A_9 = tpu.memref_squeeze %dma_start3A_8 : memref<1x50048xf32, #tpu.memory_space<hbm>> -> memref<50048xf32, #tpu.memory_space<hbm>>
    %dma_start3A_10 = arith.constant 0 : i32
    %dma_start3A_11 = tpu.memref_slice %arg2[%add3A_7, %dma_start3A_10] : memref<1024x100000xf32, #tpu.memory_space<hbm>> -> memref<1x50048xf32, #tpu.memory_space<hbm>>
    %dma_start3A_12 = tpu.memref_squeeze %dma_start3A_11 : memref<1x50048xf32, #tpu.memory_space<hbm>> -> memref<50048xf32, #tpu.memory_space<hbm>>
    tpu.enqueue_dma source(%dma_start3A_12 : memref<50048xf32, #tpu.memory_space<hbm>>) target(%arg11 : memref<50048xf32, #tpu.memory_space<vmem>>) target_semaphore(%arg16 : memref<!tpu.dma_semaphore, #tpu.memory_space<semaphore_mem>>)
    %add3A_13 = arith.constant 0 : i32
    %add3A_14 = arith.addi %mul3A_2, %add3A_13 : i32
    %dma_start3A_15 = arith.constant 50048 : i32
    %dma_start3A_16 = tpu.memref_slice %arg2[%add3A_14, %dma_start3A_15] : memref<1024x100000xf32, #tpu.memory_space<hbm>> -> memref<1x49920xf32, #tpu.memory_space<hbm>>
    %dma_start3A_17 = tpu.memref_squeeze %dma_start3A_16 : memref<1x49920xf32, #tpu.memory_space<hbm>> -> memref<49920xf32, #tpu.memory_space<hbm>>
    %dma_start3A_18 = arith.constant 50048 : i32
    %dma_start3A_19 = tpu.memref_slice %arg2[%add3A_14, %dma_start3A_18] : memref<1024x100000xf32, #tpu.memory_space<hbm>> -> memref<1x49920xf32, #tpu.memory_space<hbm>>
    %dma_start3A_20 = tpu.memref_squeeze %dma_start3A_19 : memref<1x49920xf32, #tpu.memory_space<hbm>> -> memref<49920xf32, #tpu.memory_space<hbm>>
    tpu.enqueue_dma source(%dma_start3A_20 : memref<49920xf32, #tpu.memory_space<hbm>>) target(%arg12 : memref<49920xf32, #tpu.memory_space<vmem>>) target_semaphore(%arg17 : memref<!tpu.dma_semaphore, #tpu.memory_space<semaphore_mem>>)
    "tpu.region"() ({
      %run_scoped3A = tpu.sem_alloc : memref<!tpu.dma_semaphore, #tpu.memory_space<semaphore_mem>>
      %dma_start3A_44 = tpu.memref_slice %arg4[%mul3A_2] : memref<1024xi32, #tpu.memory_space<hbm>> -> memref<32xi32, #tpu.memory_space<hbm>>
      %dma_start3A_45 = tpu.memref_slice %arg4[%mul3A_2] : memref<1024xi32, #tpu.memory_space<hbm>> -> memref<32xi32, #tpu.memory_space<hbm>>
      tpu.enqueue_dma source(%dma_start3A_45 : memref<32xi32, #tpu.memory_space<hbm>>) target(%arg8 : memref<32xi32, #tpu.memory_space<vmem>>) target_semaphore(%run_scoped3A : memref<!tpu.dma_semaphore, #tpu.memory_space<semaphore_mem>>)
      %dma_wait3A_46 = tpu.memref_slice %arg4[%mul3A_2] : memref<1024xi32, #tpu.memory_space<hbm>> -> memref<32xi32, #tpu.memory_space<hbm>>
      %dma_wait3A_47 = tpu.memref_slice %arg4[%mul3A_2] : memref<1024xi32, #tpu.memory_space<hbm>> -> memref<32xi32, #tpu.memory_space<hbm>>
      tpu.wait_dma2 semaphore(%run_scoped3A : memref<!tpu.dma_semaphore, #tpu.memory_space<semaphore_mem>>) src(%dma_wait3A_47 : memref<32xi32, #tpu.memory_space<hbm>>) dst(%arg8 : memref<32xi32, #tpu.memory_space<vmem>>)
      tpu.yield
    }) : () -> ()
    %scan3A = arith.constant 0 : i32
    %scan3A_21 = arith.constant 0 : i32
    %scan3A_22 = arith.constant 32 : i32
    %scan3A_23 = arith.addi %scan3A_21, %scan3A_22 : i32
    %scan3A_24 = arith.constant 1 : i32
    scf.for %scan3A_44 = %scan3A_21 to %scan3A_23 step %scan3A_24  : i32 {
      %add3A_45 = arith.addi %mul3A_2, %scan3A_44 : i32
      "tpu.region"() ({
        %run_scoped3A = tpu.sem_alloc : memref<!tpu.dma_semaphore, #tpu.memory_space<semaphore_mem>>
        %dma_start3A_148 = arith.constant 0 : i32
        %dma_start3A_149 = tpu.memref_slice %arg5[%add3A_45, %dma_start3A_148] : memref<1024x2048xi32, #tpu.memory_space<hbm>> -> memref<1x2048xi32, #tpu.memory_space<hbm>>
        %dma_start3A_150 = tpu.memref_squeeze %dma_start3A_149 : memref<1x2048xi32, #tpu.memory_space<hbm>> -> memref<2048xi32, #tpu.memory_space<hbm>>
        %dma_start3A_151 = arith.constant 0 : i32
        %dma_start3A_152 = tpu.memref_slice %arg5[%add3A_45, %dma_start3A_151] : memref<1024x2048xi32, #tpu.memory_space<hbm>> -> memref<1x2048xi32, #tpu.memory_space<hbm>>
        %dma_start3A_153 = tpu.memref_squeeze %dma_start3A_152 : memref<1x2048xi32, #tpu.memory_space<hbm>> -> memref<2048xi32, #tpu.memory_space<hbm>>
        tpu.enqueue_dma source(%dma_start3A_153 : memref<2048xi32, #tpu.memory_space<hbm>>) target(%arg9 : memref<2048xi32, #tpu.memory_space<vmem>>) target_semaphore(%run_scoped3A : memref<!tpu.dma_semaphore, #tpu.memory_space<semaphore_mem>>)
        %dma_wait3A_154 = arith.constant 0 : i32
        %dma_wait3A_155 = tpu.memref_slice %arg5[%add3A_45, %dma_wait3A_154] : memref<1024x2048xi32, #tpu.memory_space<hbm>> -> memref<1x2048xi32, #tpu.memory_space<hbm>>
        %dma_wait3A_156 = tpu.memref_squeeze %dma_wait3A_155 : memref<1x2048xi32, #tpu.memory_space<hbm>> -> memref<2048xi32, #tpu.memory_space<hbm>>
        %dma_wait3A_157 = arith.constant 0 : i32
        %dma_wait3A_158 = tpu.memref_slice %arg5[%add3A_45, %dma_wait3A_157] : memref<1024x2048xi32, #tpu.memory_space<hbm>> -> memref<1x2048xi32, #tpu.memory_space<hbm>>
        %dma_wait3A_159 = tpu.memref_squeeze %dma_wait3A_158 : memref<1x2048xi32, #tpu.memory_space<hbm>> -> memref<2048xi32, #tpu.memory_space<hbm>>
        tpu.wait_dma2 semaphore(%run_scoped3A : memref<!tpu.dma_semaphore, #tpu.memory_space<semaphore_mem>>) src(%dma_wait3A_159 : memref<2048xi32, #tpu.memory_space<hbm>>) dst(%arg9 : memref<2048xi32, #tpu.memory_space<vmem>>)
        tpu.yield
      }) : () -> ()
      %add3A_46 = arith.addi %mul3A_2, %scan3A_44 : i32
      "tpu.region"() ({
        %run_scoped3A = tpu.sem_alloc : memref<!tpu.dma_semaphore, #tpu.memory_space<semaphore_mem>>
        %dma_start3A_148 = arith.constant 0 : i32
        %dma_start3A_149 = tpu.memref_slice %arg3[%add3A_46, %dma_start3A_148] : memref<1024x32xf32, #tpu.memory_space<hbm>> -> memref<1x32xf32, #tpu.memory_space<hbm>>
        %dma_start3A_150 = tpu.memref_squeeze %dma_start3A_149 : memref<1x32xf32, #tpu.memory_space<hbm>> -> memref<32xf32, #tpu.memory_space<hbm>>
        %dma_start3A_151 = arith.constant 0 : i32
        %dma_start3A_152 = tpu.memref_slice %arg3[%add3A_46, %dma_start3A_151] : memref<1024x32xf32, #tpu.memory_space<hbm>> -> memref<1x32xf32, #tpu.memory_space<hbm>>
        %dma_start3A_153 = tpu.memref_squeeze %dma_start3A_152 : memref<1x32xf32, #tpu.memory_space<hbm>> -> memref<32xf32, #tpu.memory_space<hbm>>
        tpu.enqueue_dma source(%dma_start3A_153 : memref<32xf32, #tpu.memory_space<hbm>>) target(%arg13 : memref<32xf32, #tpu.memory_space<vmem>>) target_semaphore(%run_scoped3A : memref<!tpu.dma_semaphore, #tpu.memory_space<semaphore_mem>>)
        %dma_wait3A_154 = arith.constant 0 : i32
        %dma_wait3A_155 = tpu.memref_slice %arg3[%add3A_46, %dma_wait3A_154] : memref<1024x32xf32, #tpu.memory_space<hbm>> -> memref<1x32xf32, #tpu.memory_space<hbm>>
        %dma_wait3A_156 = tpu.memref_squeeze %dma_wait3A_155 : memref<1x32xf32, #tpu.memory_space<hbm>> -> memref<32xf32, #tpu.memory_space<hbm>>
        %dma_wait3A_157 = arith.constant 0 : i32
        %dma_wait3A_158 = tpu.memref_slice %arg3[%add3A_46, %dma_wait3A_157] : memref<1024x32xf32, #tpu.memory_space<hbm>> -> memref<1x32xf32, #tpu.memory_space<hbm>>
        %dma_wait3A_159 = tpu.memref_squeeze %dma_wait3A_158 : memref<1x32xf32, #tpu.memory_space<hbm>> -> memref<32xf32, #tpu.memory_space<hbm>>
        tpu.wait_dma2 semaphore(%run_scoped3A : memref<!tpu.dma_semaphore, #tpu.memory_space<semaphore_mem>>) src(%dma_wait3A_159 : memref<32xf32, #tpu.memory_space<hbm>>) dst(%arg13 : memref<32xf32, #tpu.memory_space<vmem>>)
        tpu.yield
      }) : () -> ()
      %broadcast_in_dim3A_47 = vector.broadcast %scan3A_44 : i32 to vector<16xi32>
      %gather3A = tpu.vector_load_idx %arg8[%broadcast_in_dim3A_47] : memref<32xi32, #tpu.memory_space<vmem>>[vector<16xi32>], vector<16xi32>,
      %add3A_48 = arith.constant 1 : i32
      %add3A_49 = arith.addi %scan3A_44, %add3A_48 : i32
      %min3A = arith.constant 31 : i32
      %min3A_50 = arith.minsi %add3A_49, %min3A : i32
      %add3A_51 = arith.addi %mul3A_2, %scan3A_44 : i32
      %dma_wait3A_52 = arith.constant 0 : i32
      %dma_wait3A_53 = tpu.memref_slice %arg2[%add3A_51, %dma_wait3A_52] : memref<1024x100000xf32, #tpu.memory_space<hbm>> -> memref<1x50048xf32, #tpu.memory_space<hbm>>
      %dma_wait3A_54 = tpu.memref_squeeze %dma_wait3A_53 : memref<1x50048xf32, #tpu.memory_space<hbm>> -> memref<50048xf32, #tpu.memory_space<hbm>>
      %dma_wait3A_55 = arith.constant 0 : i32
      %dma_wait3A_56 = tpu.memref_slice %arg2[%add3A_51, %dma_wait3A_55] : memref<1024x100000xf32, #tpu.memory_space<hbm>> -> memref<1x50048xf32, #tpu.memory_space<hbm>>
      %dma_wait3A_57 = tpu.memref_squeeze %dma_wait3A_56 : memref<1x50048xf32, #tpu.memory_space<hbm>> -> memref<50048xf32, #tpu.memory_space<hbm>>
      tpu.wait_dma2 semaphore(%arg16 : memref<!tpu.dma_semaphore, #tpu.memory_space<semaphore_mem>>) src(%dma_wait3A_57 : memref<50048xf32, #tpu.memory_space<hbm>>) dst(%arg11 : memref<50048xf32, #tpu.memory_space<vmem>>)
      %scan3A_58 = arith.constant 0 : i32
      %scan3A_59 = arith.constant 128 : i32
      %scan3A_60 = arith.addi %scan3A_58, %scan3A_59 : i32
      %scan3A_61 = arith.constant 1 : i32
      %scan3A_62 = scf.for %scan3A_148 = %scan3A_58 to %scan3A_60 step %scan3A_61 iter_args(%scan3A_149 = %broadcast_in_dim3A_5) -> (vector<16xf32>)  : i32 {
        %mul3A_150 = arith.constant 16 : i32
        %mul3A_151 = arith.muli %scan3A_148, %mul3A_150 : i32
        %get3A = arith.index_cast %mul3A_151 : i32 to index
        %get3A_152 = tpu.vector_load %arg9[%get3A] {strides = array<i32>} : memref<2048xi32, #tpu.memory_space<vmem>>, vector<16xi32>,
        %lt3A_153 = arith.constant 50048 : i32
        %lt3A_154 = vector.broadcast %lt3A_153 : i32 to vector<16xi32>
        %lt3A_155 = arith.cmpi slt, %get3A_152, %lt3A_154 : vector<16xi32>
        %jit3A_156 = arith.constant 0 : i32
        %broadcast_in_dim3A_157 = vector.broadcast %jit3A_156 : i32 to vector<16xi32>
        %select_n3A_158 = arith.select %lt3A_155, %get3A_152, %broadcast_in_dim3A_157 : vector<16xi1>, vector<16xi32>
        %gather3A_159 = tpu.vector_load_idx %arg11[%select_n3A_158] : memref<50048xf32, #tpu.memory_space<vmem>>[vector<16xi32>], vector<16xf32>,
        %get3A_160 = arith.index_cast %mul3A_151 : i32 to index
        %get3A_161 = tpu.vector_load %arg10[%get3A_160] {strides = array<i32>} : memref<2048xf32, #tpu.memory_space<vmem>>, vector<16xf32>,
        %select_n3A_162 = arith.select %lt3A_155, %gather3A_159, %get3A_161 : vector<16xi1>, vector<16xf32>
        %swap3A = arith.index_cast %mul3A_151 : i32 to index
        %swap3A_163 = tpu.vector_load %arg10[%swap3A] {strides = array<i32>} : memref<2048xf32, #tpu.memory_space<vmem>>, vector<16xf32>,
        tpu.vector_store %arg10[%swap3A], %select_n3A_162 {strides = array<i32>} : memref<2048xf32, #tpu.memory_space<vmem>>, vector<16xf32>,
        %select_n3A_164 = arith.select %lt3A_155, %gather3A_159, %broadcast_in_dim3A_5 : vector<16xi1>, vector<16xf32>
        %max3A = arith.maximumf %scan3A_149, %select_n3A_164 : vector<16xf32>
        scf.yield %max3A : vector<16xf32>
      }
      %scan3A_63 = arith.constant 128 : i32
      %lt3A = arith.constant 50048 : i32
      %lt3A_64 = vector.broadcast %lt3A : i32 to vector<16xi32>
      %lt3A_65 = arith.cmpi slt, %gather3A, %lt3A_64 : vector<16xi32>
      %jit3A = arith.constant 0 : i32
      %broadcast_in_dim3A_66 = vector.broadcast %jit3A : i32 to vector<16xi32>
      %select_n3A = arith.select %lt3A_65, %gather3A, %broadcast_in_dim3A_66 : vector<16xi1>, vector<16xi32>
      %gather3A_67 = tpu.vector_load_idx %arg11[%select_n3A] : memref<50048xf32, #tpu.memory_space<vmem>>[vector<16xi32>], vector<16xf32>,
      %broadcast_in_dim3A_68 = arith.constant 0.000000e+00 : f32
      %broadcast_in_dim3A_69 = vector.broadcast %broadcast_in_dim3A_68 : f32 to vector<16xf32>
      %select_n3A_70 = arith.select %lt3A_65, %gather3A_67, %broadcast_in_dim3A_69 : vector<16xi1>, vector<16xf32>
      %add3A_71 = arith.addi %mul3A_2, %min3A_50 : i32
      %dma_start3A_72 = arith.constant 0 : i32
      %dma_start3A_73 = tpu.memref_slice %arg2[%add3A_71, %dma_start3A_72] : memref<1024x100000xf32, #tpu.memory_space<hbm>> -> memref<1x50048xf32, #tpu.memory_space<hbm>>
      %dma_start3A_74 = tpu.memref_squeeze %dma_start3A_73 : memref<1x50048xf32, #tpu.memory_space<hbm>> -> memref<50048xf32, #tpu.memory_space<hbm>>
      %dma_start3A_75 = arith.constant 0 : i32
      %dma_start3A_76 = tpu.memref_slice %arg2[%add3A_71, %dma_start3A_75] : memref<1024x100000xf32, #tpu.memory_space<hbm>> -> memref<1x50048xf32, #tpu.memory_space<hbm>>
      %dma_start3A_77 = tpu.memref_squeeze %dma_start3A_76 : memref<1x50048xf32, #tpu.memory_space<hbm>> -> memref<50048xf32, #tpu.memory_space<hbm>>
      tpu.enqueue_dma source(%dma_start3A_77 : memref<50048xf32, #tpu.memory_space<hbm>>) target(%arg11 : memref<50048xf32, #tpu.memory_space<vmem>>) target_semaphore(%arg16 : memref<!tpu.dma_semaphore, #tpu.memory_space<semaphore_mem>>)
      %add3A_78 = arith.addi %mul3A_2, %scan3A_44 : i32
      %dma_wait3A_79 = arith.constant 50048 : i32
      %dma_wait3A_80 = tpu.memref_slice %arg2[%add3A_78, %dma_wait3A_79] : memref<1024x100000xf32, #tpu.memory_space<hbm>> -> memref<1x49920xf32, #tpu.memory_space<hbm>>
      %dma_wait3A_81 = tpu.memref_squeeze %dma_wait3A_80 : memref<1x49920xf32, #tpu.memory_space<hbm>> -> memref<49920xf32, #tpu.memory_space<hbm>>
      %dma_wait3A_82 = arith.constant 50048 : i32
      %dma_wait3A_83 = tpu.memref_slice %arg2[%add3A_78, %dma_wait3A_82] : memref<1024x100000xf32, #tpu.memory_space<hbm>> -> memref<1x49920xf32, #tpu.memory_space<hbm>>
      %dma_wait3A_84 = tpu.memref_squeeze %dma_wait3A_83 : memref<1x49920xf32, #tpu.memory_space<hbm>> -> memref<49920xf32, #tpu.memory_space<hbm>>
      tpu.wait_dma2 semaphore(%arg17 : memref<!tpu.dma_semaphore, #tpu.memory_space<semaphore_mem>>) src(%dma_wait3A_84 : memref<49920xf32, #tpu.memory_space<hbm>>) dst(%arg12 : memref<49920xf32, #tpu.memory_space<vmem>>)
      %scan3A_85 = arith.constant 0 : i32
      %scan3A_86 = arith.constant 128 : i32
      %scan3A_87 = arith.addi %scan3A_85, %scan3A_86 : i32
      %scan3A_88 = arith.constant 1 : i32
      %scan3A_89 = scf.for %scan3A_148 = %scan3A_85 to %scan3A_87 step %scan3A_88 iter_args(%scan3A_149 = %scan3A_62) -> (vector<16xf32>)  : i32 {
        %mul3A_150 = arith.constant 16 : i32
        %mul3A_151 = arith.muli %scan3A_148, %mul3A_150 : i32
        %get3A = arith.index_cast %mul3A_151 : i32 to index
        %get3A_152 = tpu.vector_load %arg9[%get3A] {strides = array<i32>} : memref<2048xi32, #tpu.memory_space<vmem>>, vector<16xi32>,
        %ge3A_153 = arith.constant 99968 : i32
        %ge3A_154 = vector.broadcast %ge3A_153 : i32 to vector<16xi32>
        %ge3A_155 = arith.cmpi sge, %get3A_152, %ge3A_154 : vector<16xi32>
        %ge3A_156 = arith.constant 50048 : i32
        %ge3A_157 = vector.broadcast %ge3A_156 : i32 to vector<16xi32>
        %ge3A_158 = arith.cmpi sge, %get3A_152, %ge3A_157 : vector<16xi32>
        %lt3A_159 = arith.constant 99968 : i32
        %lt3A_160 = vector.broadcast %lt3A_159 : i32 to vector<16xi32>
        %lt3A_161 = arith.cmpi slt, %get3A_152, %lt3A_160 : vector<16xi32>
        %and3A_162 = arith.andi %ge3A_158, %lt3A_161 : vector<16xi1>
        %sub3A_163 = arith.constant 50048 : i32
        %sub3A_164 = vector.broadcast %sub3A_163 : i32 to vector<16xi32>
        %sub3A_165 = arith.subi %get3A_152, %sub3A_164 : vector<16xi32>
        %jit3A_166 = arith.constant 0 : i32
        %broadcast_in_dim3A_167 = vector.broadcast %jit3A_166 : i32 to vector<16xi32>
        %select_n3A_168 = arith.select %and3A_162, %sub3A_165, %broadcast_in_dim3A_167 : vector<16xi1>, vector<16xi32>
        %gather3A_169 = tpu.vector_load_idx %arg12[%select_n3A_168] : memref<49920xf32, #tpu.memory_space<vmem>>[vector<16xi32>], vector<16xf32>,
        %sub3A_170 = arith.constant 99968 : i32
        %sub3A_171 = vector.broadcast %sub3A_170 : i32 to vector<16xi32>
        %sub3A_172 = arith.subi %get3A_152, %sub3A_171 : vector<16xi32>
        %jit3A_173 = arith.constant 0 : i32
        %broadcast_in_dim3A_174 = vector.broadcast %jit3A_173 : i32 to vector<16xi32>
        %select_n3A_175 = arith.select %ge3A_155, %sub3A_172, %broadcast_in_dim3A_174 : vector<16xi1>, vector<16xi32>
        %gather3A_176 = tpu.vector_load_idx %arg13[%select_n3A_175] : memref<32xf32, #tpu.memory_space<vmem>>[vector<16xi32>], vector<16xf32>,
        %select_n3A_177 = arith.select %ge3A_155, %gather3A_176, %gather3A_169 : vector<16xi1>, vector<16xf32>
        %ge3A_178 = arith.constant 50048 : i32
        %ge3A_179 = vector.broadcast %ge3A_178 : i32 to vector<16xi32>
        %ge3A_180 = arith.cmpi sge, %get3A_152, %ge3A_179 : vector<16xi32>
        %get3A_181 = arith.index_cast %mul3A_151 : i32 to index
        %get3A_182 = tpu.vector_load %arg10[%get3A_181] {strides = array<i32>} : memref<2048xf32, #tpu.memory_space<vmem>>, vector<16xf32>,
        %select_n3A_183 = arith.select %ge3A_180, %select_n3A_177, %get3A_182 : vector<16xi1>, vector<16xf32>
        %swap3A = arith.index_cast %mul3A_151 : i32 to index
        %swap3A_184 = tpu.vector_load %arg10[%swap3A] {strides = array<i32>} : memref<2048xf32, #tpu.memory_space<vmem>>, vector<16xf32>,
        tpu.vector_store %arg10[%swap3A], %select_n3A_183 {strides = array<i32>} : memref<2048xf32, #tpu.memory_space<vmem>>, vector<16xf32>,
        %select_n3A_185 = arith.select %ge3A_180, %select_n3A_177, %broadcast_in_dim3A_5 : vector<16xi1>, vector<16xf32>
        %max3A = arith.maximumf %scan3A_149, %select_n3A_185 : vector<16xf32>
        scf.yield %max3A : vector<16xf32>
      }
      %scan3A_90 = arith.constant 128 : i32
      %ge3A = arith.constant 99968 : i32
      %ge3A_91 = vector.broadcast %ge3A : i32 to vector<16xi32>
      %ge3A_92 = arith.cmpi sge, %gather3A, %ge3A_91 : vector<16xi32>
      %ge3A_93 = arith.constant 50048 : i32
      %ge3A_94 = vector.broadcast %ge3A_93 : i32 to vector<16xi32>
      %ge3A_95 = arith.cmpi sge, %gather3A, %ge3A_94 : vector<16xi32>
      %lt3A_96 = arith.constant 99968 : i32
      %lt3A_97 = vector.broadcast %lt3A_96 : i32 to vector<16xi32>
      %lt3A_98 = arith.cmpi slt, %gather3A, %lt3A_97 : vector<16xi32>
      %and3A = arith.andi %ge3A_95, %lt3A_98 : vector<16xi1>
      %sub3A_99 = arith.constant 50048 : i32
      %sub3A_100 = vector.broadcast %sub3A_99 : i32 to vector<16xi32>
      %sub3A_101 = arith.subi %gather3A, %sub3A_100 : vector<16xi32>
      %jit3A_102 = arith.constant 0 : i32
      %broadcast_in_dim3A_103 = vector.broadcast %jit3A_102 : i32 to vector<16xi32>
      %select_n3A_104 = arith.select %and3A, %sub3A_101, %broadcast_in_dim3A_103 : vector<16xi1>, vector<16xi32>
      %gather3A_105 = tpu.vector_load_idx %arg12[%select_n3A_104] : memref<49920xf32, #tpu.memory_space<vmem>>[vector<16xi32>], vector<16xf32>,
      %sub3A_106 = arith.constant 99968 : i32
      %sub3A_107 = vector.broadcast %sub3A_106 : i32 to vector<16xi32>
      %sub3A_108 = arith.subi %gather3A, %sub3A_107 : vector<16xi32>
      %jit3A_109 = arith.constant 0 : i32
      %broadcast_in_dim3A_110 = vector.broadcast %jit3A_109 : i32 to vector<16xi32>
      %select_n3A_111 = arith.select %ge3A_92, %sub3A_108, %broadcast_in_dim3A_110 : vector<16xi1>, vector<16xi32>
      %gather3A_112 = tpu.vector_load_idx %arg13[%select_n3A_111] : memref<32xf32, #tpu.memory_space<vmem>>[vector<16xi32>], vector<16xf32>,
      %select_n3A_113 = arith.select %and3A, %gather3A_105, %select_n3A_70 : vector<16xi1>, vector<16xf32>
      %select_n3A_114 = arith.select %ge3A_92, %gather3A_112, %select_n3A_113 : vector<16xi1>, vector<16xf32>
      %add3A_115 = arith.addi %mul3A_2, %min3A_50 : i32
      %dma_start3A_116 = arith.constant 50048 : i32
      %dma_start3A_117 = tpu.memref_slice %arg2[%add3A_115, %dma_start3A_116] : memref<1024x100000xf32, #tpu.memory_space<hbm>> -> memref<1x49920xf32, #tpu.memory_space<hbm>>
      %dma_start3A_118 = tpu.memref_squeeze %dma_start3A_117 : memref<1x49920xf32, #tpu.memory_space<hbm>> -> memref<49920xf32, #tpu.memory_space<hbm>>
      %dma_start3A_119 = arith.constant 50048 : i32
      %dma_start3A_120 = tpu.memref_slice %arg2[%add3A_115, %dma_start3A_119] : memref<1024x100000xf32, #tpu.memory_space<hbm>> -> memref<1x49920xf32, #tpu.memory_space<hbm>>
      %dma_start3A_121 = tpu.memref_squeeze %dma_start3A_120 : memref<1x49920xf32, #tpu.memory_space<hbm>> -> memref<49920xf32, #tpu.memory_space<hbm>>
      tpu.enqueue_dma source(%dma_start3A_121 : memref<49920xf32, #tpu.memory_space<hbm>>) target(%arg12 : memref<49920xf32, #tpu.memory_space<vmem>>) target_semaphore(%arg17 : memref<!tpu.dma_semaphore, #tpu.memory_space<semaphore_mem>>)
      %reduce_max3A = arith.constant true
      %reduce_max3A_122 = vector.broadcast %reduce_max3A : i1 to vector<16xi1>
      %reduce_max3A_123 = tpu.scan <max>, %scan3A_89 masked %reduce_max3A_122 : vector<16xf32>, vector<16xi1> -> vector<16xf32>
      %reduce_max3A_124 = vector.extract %reduce_max3A_123[15] : f32 from vector<16xf32>
      %broadcast_in_dim3A_125 = arith.constant 0.000000e+00 : f32
      %broadcast_in_dim3A_126 = vector.broadcast %broadcast_in_dim3A_125 : f32 to vector<16xf32>
      %scan3A_127 = arith.constant 0 : i32
      %scan3A_128 = arith.constant 128 : i32
      %scan3A_129 = arith.addi %scan3A_127, %scan3A_128 : i32
      %scan3A_130 = arith.constant 1 : i32
      %scan3A_131:3 = scf.for %scan3A_148 = %scan3A_127 to %scan3A_129 step %scan3A_130 iter_args(%scan3A_149 = %broadcast_in_dim3A_126, %scan3A_150 = %broadcast_in_dim3A_126, %scan3A_151 = %broadcast_in_dim3A_126) -> (vector<16xf32>, vector<16xf32>, vector<16xf32>)  : i32 {
        %mul3A_152 = arith.constant 16 : i32
        %mul3A_153 = arith.muli %scan3A_148, %mul3A_152 : i32
        %get3A = arith.index_cast %mul3A_153 : i32 to index
        %get3A_154 = tpu.vector_load %arg10[%get3A] {strides = array<i32>} : memref<2048xf32, #tpu.memory_space<vmem>>, vector<16xf32>,
        %sub3A_155 = vector.broadcast %reduce_max3A_124 : f32 to vector<16xf32>
        %sub3A_156 = arith.subf %get3A_154, %sub3A_155 : vector<16xf32>
        %exp3A = math.exp %sub3A_156 : vector<16xf32>
        %sub3A_157 = arith.subf %get3A_154, %select_n3A_114 : vector<16xf32>
        %exp3A_158 = math.exp %sub3A_157 : vector<16xf32>
        %add3A_159 = arith.constant 1.000000e+00 : f32
        %add3A_160 = vector.broadcast %add3A_159 : f32 to vector<16xf32>
        %add3A_161 = arith.addf %add3A_160, %exp3A_158 : vector<16xf32>
        %div3A_162 = arith.constant 1.000000e+00 : f32
        %div3A_163 = vector.broadcast %div3A_162 : f32 to vector<16xf32>
        %div3A_164 = arith.divf %div3A_163, %add3A_161 : vector<16xf32>
        %add3A_165 = arith.addf %scan3A_149, %exp3A : vector<16xf32>
        %mul3A_166 = arith.mulf %exp3A, %div3A_164 : vector<16xf32>
        %add3A_167 = arith.addf %scan3A_150, %mul3A_166 : vector<16xf32>
        %mul3A_168 = arith.mulf %exp3A, %get3A_154 : vector<16xf32>
        %mul3A_169 = arith.mulf %mul3A_168, %get3A_154 : vector<16xf32>
        %add3A_170 = arith.addf %scan3A_151, %mul3A_169 : vector<16xf32>
        scf.yield %add3A_165, %add3A_167, %add3A_170 : vector<16xf32>, vector<16xf32>, vector<16xf32>
      }
      %scan3A_132 = arith.constant 128 : i32
      %reduce_sum3A = arith.constant true
      %reduce_sum3A_133 = vector.broadcast %reduce_sum3A : i1 to vector<16xi1>
      %reduce_sum3A_134 = tpu.scan <sum>, %scan3A_131#0 masked %reduce_sum3A_133 : vector<16xf32>, vector<16xi1> -> vector<16xf32>
      %reduce_sum3A_135 = vector.extract %reduce_sum3A_134[15] : f32 from vector<16xf32>
      %reduce_sum3A_136 = arith.constant true
      %reduce_sum3A_137 = vector.broadcast %reduce_sum3A_136 : i1 to vector<16xi1>
      %reduce_sum3A_138 = tpu.scan <sum>, %scan3A_131#1 masked %reduce_sum3A_137 : vector<16xf32>, vector<16xi1> -> vector<16xf32>
      %reduce_sum3A_139 = vector.extract %reduce_sum3A_138[15] : f32 from vector<16xf32>
      %reduce_sum3A_140 = arith.constant true
      %reduce_sum3A_141 = vector.broadcast %reduce_sum3A_140 : i1 to vector<16xi1>
      %reduce_sum3A_142 = tpu.scan <sum>, %scan3A_131#2 masked %reduce_sum3A_141 : vector<16xf32>, vector<16xi1> -> vector<16xf32>
      %reduce_sum3A_143 = vector.extract %reduce_sum3A_142[15] : f32 from vector<16xf32>
      %broadcast_in_dim3A_144 = vector.broadcast %reduce_sum3A_135 : f32 to vector<16xf32>
      %broadcast_in_dim3A_145 = vector.broadcast %reduce_sum3A_139 : f32 to vector<16xf32>
      %div3A = arith.divf %broadcast_in_dim3A_145, %broadcast_in_dim3A_144 : vector<16xf32>
      tpu.vector_store_idx %arg14[%broadcast_in_dim3A_47], %div3A masked %eq3A_4 : memref<32xf32, #tpu.memory_space<vmem>>[vector<16xi32>], vector<16xf32>, vector<16xi1>
      %broadcast_in_dim3A_146 = vector.broadcast %reduce_sum3A_143 : f32 to vector<16xf32>
      %div3A_147 = arith.divf %broadcast_in_dim3A_146, %broadcast_in_dim3A_144 : vector<16xf32>
      tpu.vector_store_idx %arg15[%broadcast_in_dim3A_47], %div3A_147 masked %eq3A_4 : memref<32xf32, #tpu.memory_space<vmem>>[vector<16xi32>], vector<16xf32>, vector<16xi1>
    }
    %scan3A_25 = arith.constant 32 : i32
    %add3A_26 = arith.constant 32 : i32
    %add3A_27 = arith.addi %mul3A_2, %add3A_26 : i32
    %sub3A = arith.constant 1 : i32
    %sub3A_28 = arith.subi %add3A_27, %sub3A : i32
    %dma_wait3A = arith.constant 0 : i32
    %dma_wait3A_29 = tpu.memref_slice %arg2[%sub3A_28, %dma_wait3A] : memref<1024x100000xf32, #tpu.memory_space<hbm>> -> memref<1x50048xf32, #tpu.memory_space<hbm>>
    %dma_wait3A_30 = tpu.memref_squeeze %dma_wait3A_29 : memref<1x50048xf32, #tpu.memory_space<hbm>> -> memref<50048xf32, #tpu.memory_space<hbm>>
    %dma_wait3A_31 = arith.constant 0 : i32
    %dma_wait3A_32 = tpu.memref_slice %arg2[%sub3A_28, %dma_wait3A_31] : memref<1024x100000xf32, #tpu.memory_space<hbm>> -> memref<1x50048xf32, #tpu.memory_space<hbm>>
    %dma_wait3A_33 = tpu.memref_squeeze %dma_wait3A_32 : memref<1x50048xf32, #tpu.memory_space<hbm>> -> memref<50048xf32, #tpu.memory_space<hbm>>
    tpu.wait_dma2 semaphore(%arg16 : memref<!tpu.dma_semaphore, #tpu.memory_space<semaphore_mem>>) src(%dma_wait3A_33 : memref<50048xf32, #tpu.memory_space<hbm>>) dst(%arg11 : memref<50048xf32, #tpu.memory_space<vmem>>)
    %add3A_34 = arith.constant 32 : i32
    %add3A_35 = arith.addi %mul3A_2, %add3A_34 : i32
    %sub3A_36 = arith.constant 1 : i32
    %sub3A_37 = arith.subi %add3A_35, %sub3A_36 : i32
    %dma_wait3A_38 = arith.constant 50048 : i32
    %dma_wait3A_39 = tpu.memref_slice %arg2[%sub3A_37, %dma_wait3A_38] : memref<1024x100000xf32, #tpu.memory_space<hbm>> -> memref<1x49920xf32, #tpu.memory_space<hbm>>
    %dma_wait3A_40 = tpu.memref_squeeze %dma_wait3A_39 : memref<1x49920xf32, #tpu.memory_space<hbm>> -> memref<49920xf32, #tpu.memory_space<hbm>>
    %dma_wait3A_41 = arith.constant 50048 : i32
    %dma_wait3A_42 = tpu.memref_slice %arg2[%sub3A_37, %dma_wait3A_41] : memref<1024x100000xf32, #tpu.memory_space<hbm>> -> memref<1x49920xf32, #tpu.memory_space<hbm>>
    %dma_wait3A_43 = tpu.memref_squeeze %dma_wait3A_42 : memref<1x49920xf32, #tpu.memory_space<hbm>> -> memref<49920xf32, #tpu.memory_space<hbm>>
    tpu.wait_dma2 semaphore(%arg17 : memref<!tpu.dma_semaphore, #tpu.memory_space<semaphore_mem>>) src(%dma_wait3A_43 : memref<49920xf32, #tpu.memory_space<hbm>>) dst(%arg12 : memref<49920xf32, #tpu.memory_space<vmem>>)
    "tpu.region"() ({
      %run_scoped3A = tpu.sem_alloc : memref<!tpu.dma_semaphore, #tpu.memory_space<semaphore_mem>>
      %dma_start3A_44 = tpu.memref_slice %arg6[%mul3A_2] : memref<1024xf32, #tpu.memory_space<hbm>> -> memref<32xf32, #tpu.memory_space<hbm>>
      %dma_start3A_45 = tpu.memref_slice %arg6[%mul3A_2] : memref<1024xf32, #tpu.memory_space<hbm>> -> memref<32xf32, #tpu.memory_space<hbm>>
      tpu.enqueue_dma source(%arg14 : memref<32xf32, #tpu.memory_space<vmem>>) target(%dma_start3A_45 : memref<32xf32, #tpu.memory_space<hbm>>) target_semaphore(%run_scoped3A : memref<!tpu.dma_semaphore, #tpu.memory_space<semaphore_mem>>)
      %dma_wait3A_46 = tpu.memref_slice %arg6[%mul3A_2] : memref<1024xf32, #tpu.memory_space<hbm>> -> memref<32xf32, #tpu.memory_space<hbm>>
      %dma_wait3A_47 = tpu.memref_slice %arg6[%mul3A_2] : memref<1024xf32, #tpu.memory_space<hbm>> -> memref<32xf32, #tpu.memory_space<hbm>>
      tpu.wait_dma2 semaphore(%run_scoped3A : memref<!tpu.dma_semaphore, #tpu.memory_space<semaphore_mem>>) src(%arg14 : memref<32xf32, #tpu.memory_space<vmem>>) dst(%dma_wait3A_47 : memref<32xf32, #tpu.memory_space<hbm>>)
      tpu.yield
    }) : () -> ()
    "tpu.region"() ({
      %run_scoped3A = tpu.sem_alloc : memref<!tpu.dma_semaphore, #tpu.memory_space<semaphore_mem>>
      %dma_start3A_44 = tpu.memref_slice %arg7[%mul3A_2] : memref<1024xf32, #tpu.memory_space<hbm>> -> memref<32xf32, #tpu.memory_space<hbm>>
      %dma_start3A_45 = tpu.memref_slice %arg7[%mul3A_2] : memref<1024xf32, #tpu.memory_space<hbm>> -> memref<32xf32, #tpu.memory_space<hbm>>
      tpu.enqueue_dma source(%arg15 : memref<32xf32, #tpu.memory_space<vmem>>) target(%dma_start3A_45 : memref<32xf32, #tpu.memory_space<hbm>>) target_semaphore(%run_scoped3A : memref<!tpu.dma_semaphore, #tpu.memory_space<semaphore_mem>>)
      %dma_wait3A_46 = tpu.memref_slice %arg7[%mul3A_2] : memref<1024xf32, #tpu.memory_space<hbm>> -> memref<32xf32, #tpu.memory_space<hbm>>
      %dma_wait3A_47 = tpu.memref_slice %arg7[%mul3A_2] : memref<1024xf32, #tpu.memory_space<hbm>> -> memref<32xf32, #tpu.memory_space<hbm>>
      tpu.wait_dma2 semaphore(%run_scoped3A : memref<!tpu.dma_semaphore, #tpu.memory_space<semaphore_mem>>) src(%arg15 : memref<32xf32, #tpu.memory_space<vmem>>) dst(%dma_wait3A_47 : memref<32xf32, #tpu.memory_space<hbm>>)
      tpu.yield
    }) : () -> ()
    return
  }
}

module attributes {stable_mosaic.version = 14 : i64} {
  func.func @body(%arg0: memref<8x128xf32, #tpu.memory_space<vmem>>, %arg1: memref<8x128xf32, #tpu.memory_space<vmem>>, %arg2: memref<1x1xf32, #tpu.memory_space<smem>>) attributes {dimension_semantics = [], scalar_prefetch = 0 : i64, scratch_operands = 0 : i64, tpu.core_type = #tpu.core_type<tc>} {
    %get3A = arith.constant 0 : index
    %get3A_0 = arith.constant 0 : index
    %get3A_1 = vector.load %arg0[%get3A, %get3A_0] : memref<8x128xf32, #tpu.memory_space<vmem>>, vector<8x128xf32>
    %log3A = math.log %get3A_1 : vector<8x128xf32>
    %neg3A = arith.constant 0.000000e+00 : f32
    %neg3A_2 = vector.broadcast %neg3A : f32 to vector<8x128xf32>
    %neg3A_3 = arith.subf %neg3A_2, %log3A : vector<8x128xf32>
    %get3A_4 = arith.constant 0 : index
    %get3A_5 = arith.constant 0 : index
    %get3A_6 = vector.load %arg1[%get3A_4, %get3A_5] : memref<8x128xf32, #tpu.memory_space<vmem>>, vector<8x128xf32>
    %add3A = arith.addf %neg3A_3, %get3A_6 : vector<8x128xf32>
    %reduce_sum3A = vector.shape_cast %add3A : vector<8x128xf32> to vector<1x8x128xf32>
    %reduce_sum3A_7 = arith.constant dense<0.000000e+00> : vector<1xf32>
    %reduce_sum3A_8 = vector.multi_reduction <add>, %reduce_sum3A, %reduce_sum3A_7 [1, 2] : vector<1x8x128xf32> to vector<1xf32>
    %reduce_sum3A_9 = vector.shape_cast %reduce_sum3A_8 : vector<1xf32> to vector<1x1x1xf32>
    %reduce_sum3A_10 = vector.extract %reduce_sum3A_9[0, 0, 0] : f32 from vector<1x1x1xf32>
    %div3A = arith.constant 1.024000e+03 : f32
    %div3A_11 = arith.divf %reduce_sum3A_10, %div3A : f32
    %swap3A = arith.constant 0 : index
    %swap3A_12 = arith.constant 0 : index
    %swap3A_13 = memref.load %arg2[%swap3A, %swap3A_12] : memref<1x1xf32, #tpu.memory_space<smem>>
    memref.store %div3A_11, %arg2[%swap3A, %swap3A_12] : memref<1x1xf32, #tpu.memory_space<smem>>
    return
  }
}

</mosaic_0001>

<sc_bundles>
// kernel: kernel.4.cloned.1.call-start
scs
__scs_entry_jumppad:
0x0: {  	(pc) =	sbr.rel $0x88, $3  }
0x1: {  	(tag) =	ssettag $0x0;
	lr =	simm.s32 $0x1  }
0x2: {  	[smem:$0x3F9E] =	sst lr;
	_ =	strace $0xD0000000  }
0x3: {  	_ = 	snop  }
0x4: {  	_ = 	snop  }
0x5: {  	_ = 	snop  }
0x6: {  	_ = 	snop  }
0x7: {  	_ = 	snop  }
__scs_overlays_trampoline_lowered:
0x8: {  	[smem:$0x3FAD] =	sst s0  }
0x9: {  	[smem:$0x3FAE] =	sst s1  }
0xa: {  	[smem:$0x3FAF] =	sst s2  }
0xb: {  	[smem:$0x3FB0] =	sst s3  }
0xc: {  	[smem:$0x3FB1] =	sst s4  }
0xd: {  	[smem:$0x3FB2] =	sst s5  }
0xe: {  	[smem:$0x3FB3] =	sst s6  }
0xf: {  	[smem:$0x3FB4] =	sst s7  }
0x10: {  	[smem:$0x3FB5] =	sst s8  }
0x11: {  	[smem:$0x3FB6] =	sst s9;
	s0 =	simm.s32 @!p0 $0x0  }
0x12: {  	s1 =	sld [smem:$0x3F9C];
	s0 =	simm.s32 @p0 $0x1  }
0x13: {  	[smem:$0x3FB7] =	sst s0;
	s0 =	simm.s32 @!p1 $0x0  }
0x14: {  	s2 =	sld [smem:$0x3F9B];
	s0 =	simm.s32 @p1 $0x1  }
0x15: {  	[smem:$0x3FB8] =	sst s0;
	s0 =	simm.s32 @!p2 $0x0  }
0x16: {  	s3 =	sld [smem:$0x3FDB];
	s0 =	simm.s32 @p2 $0x1  }
0x17: {  	s4 =	simm.s32 $0x1BF5;
	[smem:$0x3FBA] =	sst s0  }
0x18: {  	s0 =	sld [smem:$0x3F9D];
	_ =	swait.ge [sflag:s4], $0x0  }
0x19: {  	s7 =	sld [smem:$0x3F9E]  }
0x1a: {  	s8 =	sadd.s32 $0xFFFFE003, lr  }
0x1b: {  	s9 =	sadd.s32 $0xFFFFFEF7, lr;
	s5 =	simm.s32 $0xFFFFFFFF;
	p2 =	slt.u32 s8, $0xFFFFF086  }
0x1c: {  	p1 =	slt.u32 s9, $0xF7A;
	s5 =	simm.s32 @!p2 $0x0  }
0x1d: {  	s5 =	simm.s32 @p1 $0x1;
	p0 =	seq.s32 s7, s2  }
0x1e: {  	s7 =	smul.u32 @!p0 $0xF7A, s2;
	p2 =	seq.s32 @!p0 s5, $0x0  }
0x1f: {  	s9 =	smul.u32 $0xF7A, s1;
	s8 =	simm.s32 @!p0 $0x1BF5;
	p2 =	por !p2, p0  }
0x20: {  	[sflag:s8] =	ssyncset.s32 @!p0 $0xFFFFF086;
	s6 =	sadd.s32 @!p0 s3, s7;
	s7 =	simm.s32 @!p0 $0x108  }
0x21: {  	s3 =	sadd.s32 s3, s9;
	s6 =	sadd.s32 @!p0 $0x88, s6;
	s7 =	simm.s32 @p2 $0x1082  }
0x22: {  	[simem:s7], [sflag:s8] =	dma.local @!p0 [hbm:s6], $0xF7A  }
0x23: {  	s9 =	sor.u32 $0xD0000000, s2;
	s6 =	simm.s32 $0x108;
	_ =	swait.ge @!p0 [sflag:s8], $0x0  }
0x24: {  	s3 =	sadd.s32 $0x88, s3;
	s6 =	simm.s32 @!p1 $0x1082;
	[sflag:s4] =	ssyncset.s32 $0xFFFFF086  }
0x25: {  	[simem:s6], [sflag:s4] =	dma.local [hbm:s3], $0xF7A  }
0x26: {  	[smem:$0x3F9E] =	sst s1;
	(tag) =	ssettag s2;
	_ =	strace s9  }
0x27: {  	s1 =	sld [smem:$0x3FAE]  }
0x28: {  	s2 =	sld [smem:$0x3FAF]  }
0x29: {  	s4 =	sld [smem:$0x3FB1]  }
0x2a: {  	p0 =	seq.s32 s5, $0x0;
	s5 =	sld [smem:$0x3FB2]  }
0x2b: {  	s6 =	sld [smem:$0x3FB3]  }
0x2c: {  	s7 =	sld [smem:$0x3FB4]  }
0x2d: {  	s3 =	simm.s32 $0x108;
	s8 =	sld [smem:$0x3FB5]  }
0x2e: {  	s3 =	simm.s32 @!p0 $0x1082;
	s9 =	sld [smem:$0x3FB6]  }
0x2f: {  	lr =	sadd.s32 s0, s3;
	s0 =	sld [smem:$0x3FAD]  }
0x30: {  	s3 =	sld [smem:$0x3FB0]  }
0x31: {  	[smem:$0x3FB9] =	sst s10  }
0x32: {  	s10 =	sld [smem:$0x3FB7];
	_ =	sdelay $0x3  }
0x33: {  	p0 =	seq.s32 s10, $0x1;
	s10 =	sld [smem:$0x3FB9];
	_ =	sdelay $0x3  }
0x34: {  	[smem:$0x3FB9] =	sst s10  }
0x35: {  	s10 =	sld [smem:$0x3FB8];
	_ =	sdelay $0x3  }
0x36: {  	p1 =	seq.s32 s10, $0x1;
	s10 =	sld [smem:$0x3FB9];
	_ =	sdelay $0x3  }
0x37: {  	[smem:$0x3FB9] =	sst s10  }
0x38: {  	s10 =	sld [smem:$0x3FBA]  }
0x39: {  	_ = 	snop;
	(pc) =	sbr.ind lr, $3  }
0x3a: {  	_ = 	snop  }
0x3b: {  	_ = 	snop  }
0x3c: {  	p2 =	seq.s32 s10, $0x1;
	s10 =	sld [smem:$0x3FB9]  }
0x3d: {  	_ =	shalt  }
0x3e: {  	_ =	shalt  }
0x3f: {  	_ =	shalt  }
0x40: {  	_ =	shalt  }
0x41: {  	_ =	shalt  }
0x42: {  	_ =	shalt  }
0x43: {  	_ =	shalt  }
0x44: {  	_ =	shalt  }
0x45: {  	_ =	shalt  }
0x46: {  	_ =	shalt  }
0x47: {  	_ =	shalt  }
0x48: {  	_ =	shalt  }
0x49: {  	_ =	shalt  }
0x4a: {  	_ =	shalt  }
0x4b: {  	_ =	shalt  }
0x4c: {  	_ =	shalt  }
0x4d: {  	_ =	shalt  }
0x4e: {  	_ =	shalt  }
0x4f: {  	_ =	shalt  }
0x50: {  	_ =	shalt  }
0x51: {  	_ =	shalt  }
0x52: {  	_ =	shalt  }
0x53: {  	_ =	shalt  }
0x54: {  	_ =	shalt  }
0x55: {  	_ =	shalt  }
0x56: {  	_ =	shalt  }
0x57: {  	_ =	shalt  }
0x58: {  	_ =	shalt  }
0x59: {  	_ =	shalt  }
0x5a: {  	_ =	shalt  }
0x5b: {  	_ =	shalt  }
0x5c: {  	_ =	shalt  }
0x5d: {  	_ =	shalt  }
0x5e: {  	_ =	shalt  }
0x5f: {  	_ =	shalt  }
0x60: {  	_ =	shalt  }
0x61: {  	_ =	shalt  }
0x62: {  	_ =	shalt  }
0x63: {  	_ =	shalt  }
0x64: {  	_ =	shalt  }
0x65: {  	_ =	shalt  }
0x66: {  	_ =	shalt  }
0x67: {  	_ =	shalt  }
0x68: {  	_ =	shalt  }
0x69: {  	_ =	shalt  }
0x6a: {  	_ =	shalt  }
0x6b: {  	_ =	shalt  }
0x6c: {  	_ =	shalt  }
0x6d: {  	_ =	shalt  }
0x6e: {  	_ =	shalt  }
0x6f: {  	_ =	shalt  }
0x70: {  	_ =	shalt  }
0x71: {  	_ =	shalt  }
0x72: {  	_ =	shalt  }
0x73: {  	_ =	shalt  }
0x74: {  	_ =	shalt  }
0x75: {  	_ =	shalt  }
0x76: {  	_ =	shalt  }
0x77: {  	_ =	shalt  }
0x78: {  	_ =	shalt  }
0x79: {  	_ =	shalt  }
0x7a: {  	_ =	shalt  }
0x7b: {  	_ =	shalt  }
0x7c: {  	_ =	shalt  }
0x7d: {  	_ =	shalt  }
0x7e: {  	_ =	shalt  }
0x7f: {  	_ =	shalt  }
0x80: {  	_ =	shalt  }
0x81: {  	_ =	shalt  }
0x82: {  	_ =	shalt  }
0x83: {  	_ =	shalt  }
0x84: {  	_ =	shalt  }
0x85: {  	_ =	shalt  }
0x86: {  	_ =	shalt  }
0x87: {  	_ =	shalt  }
.Lfunc_end0:
.L_simem_size_0:
called_computation_lowered:
.L_overlay_start_0:
0x88: {  	s2 =	sld [smem:$0x3FD9]  }
0x89: {  	s3 =	sld [smem:$0x3FFE];
	_ =	sdelay $0x1  }
0x8a: {  	s1 =	srdreg.scid  }
0x8b: {  	s0 =	sand.u32 $0x1, s1  }
0x8c: {  	s17 =	sshll.u32 s0, $0xA;
	s2 =	sadd.s32 s3, s2  }
0x8d: {  	s2 =	sadd.s32 s2, s17  }
0x8e: {  	[smem:$0x3FC5] =	sst s2  }
0x8f: {  	_ = 	snop  }
0x90: {  	s2 =	sld [smem:$0x3FC8]  }
0x91: {  	s18 =	sld [smem:$0x3FC7];
	(tm) =	ssettm $0x1  }
0x92: {  	s4 =	sld [smem:$0x3FFB];
	_ =	sdelay $0x3  }
0x93: {  	_ =	strace s4  }
0x94: {  	s4 =	sld [smem:$0x3FFC];
	_ =	sdelay $0x3  }
0x95: {  	_ =	strace s4  }
0x96: {  	s4 =	sld [smem:$0x3FFD];
	_ =	sdelay $0x3  }
0x97: {  	_ =	strace s4  }
0x98: {  	_ =	strace $0x8FFFFFFF  }
0x99: {  	s19 =	sld [smem:$0x3FDB];
	_ =	sdelay $0x1  }
0x9a: {  	s5 =	simm.s32 $_scs_section_size  }
0x9b: {  	s6 =	simm.s32 $_size__tile_overlayer_lowered;
	s7 =	simm.s32 $_tile_overlayer_lowered  }
0x9c: {  	s22 =	simm.s32 $0x1BFF;
	s21 =	sshll.u32 s7, $0x1;
	s4 =	sadd.s32 s5, s19  }
0x9d: {  	s8 =	simm.s32 $0x0;
	s20 =	sshll.u32 s6, $0x1;
	s6 =	sadd.s32 s21, s4  }
0x9e: {  	[timem:s8], [sflag:s22] =	dma.local [hbm:s6], s20  }
0x9f: {  	_ =	swait.ge [sflag:s22], s20  }
0xa0: {  	s5 =	ssub.s32 $0x0, s20;
	[sflag:s22] =	ssyncset.done $0x0  }
0xa1: {  	[sflag:s22] =	ssyncadd.s32 s5;
	_ =	sdelay $0x1  }
0xa2: {  	s23 =	simm.s32 $0x1B8B  }
0xa3: {  	_ =	swait.ge [sflag:s23], $0x1  }
0xa4: {  	[sflag:s23] =	ssyncset.done $0x0  }
0xa5: {  	s25 =	simm.s32 $0x1B8E;
	s24 =	sld [smem:$0x3FFE];
	[sflag:s23] =	ssyncadd.s32 $0xFFFFFFFF  }
0xa6: {  	s26 =	simm.s32 $execute0_lowered;
	[smem:$0x3FD2] =	sst s25  }
0xa7: {  	s6 =	sshll.u32 s26, $0x1;
	_ =	strace $0x80000046;
	[dreg:$0x1] =	wrdreg $0xFFFFFFFF  }
0xa8: {  	s28 =	simm.s32 $_size_execute0_lowered;
	s4 =	sadd.s32 s4, s6;
	[dreg:$0x0] =	wrdreg $0x0  }
0xa9: {  	s6 =	sshll.u32 s28, $0x1;
	[dreg:$0x2] =	wrdreg s4  }
0xaa: {  	[dreg:$0x3] =	wrdreg s6  }
0xab: {  	[dreg:$0x4] =	wrdreg $0xC0  }
0xac: {  	_ =	task [dreg:s8], $0x5FFFF  }
0xad: {  	[dreg:$0x1] =	wrdreg $0xFFFFFFFF  }
0xae: {  	[dreg:$0x0] =	wrdreg $0x60  }
0xaf: {  	[dreg:$0x2] =	wrdreg s24  }
0xb0: {  	[dreg:$0x3] =	wrdreg s2  }
0xb1: {  	[dreg:$0x4] =	wrdreg s18  }
0xb2: {  	[dreg:$0x5] =	wrdreg $0x9  }
0xb3: {  	_ =	task.clear_ibuf [dreg:s8], $0x6FFFF;
	_ =	strace $0x90000046  }
0xb4: {  	s29 =	simm.s32 $0x9;
	_ =	strace $0x80000048  }
0xb5: {  	_ =	swait.ge [sflag:s29], $0x1  }
0xb6: {  	[sflag:s29] =	ssyncadd.s32 $0xFFFFFFFF  }
0xb7: {  	_ =	strace $0x90000048  }
0xb8: {  	_ =	sfence  }
0xb9: {  	s30 =	sld [smem:$0x0];
	_ =	sdelay $0x2  }
0xba: {  	s31 =	sshll.u32 s1, $0xD;
	s1 =	sshrl.u32 s1, $0x2  }
0xbb: {  	s3 =	sand.u32 $0x4000, s31;
	s1 =	sadd.s32 s1, s30  }
0xbc: {  	s0 =	sor.u32 s3, s0;
	s1 =	sshll.u32 s1, $0x11  }
0xbd: {  	s0 =	sor.u32 s1, s0  }
0xbe: {  	s0 =	sadd.s32 $0x8F2B, s0  }
0xbf: {  	[sflag:s0] =	ssyncadd.remote.s32 $0x1  }
0xc0: {  	_ =	sfence.sel $0xFFFF  }
0xc1: {  	[dreg:$0x0] =	wrdreg $0xFFFFFFFF;
	(pc) =	sbr.abs _section_cstart, $3  }
0xc2: {  	[dreg:$0x1] =	wrdreg $0xFFFFFFFF  }
0xc3: {  	_ =	task.clear_ibuf [dreg:s8], $0x2FFFF;
	_ =	strace $0x9FFFFFFF  }
0xc4: {  	(tm) =	ssettm $0x7FFFFFFF  }
0xc5: {  	_ =	shalt  }
tec
execute0_lowered:
.L_overlay_start_1:
0x0: {  	(tag) =	ssettag $0x1  }
0x1: {  	s8 =	rddreg [dreg:$0x0]  }
0x2: {  	s1 =	srdreg.scid;
	s9 =	rddreg [dreg:$0x1]  }
0x3: {  	s0 =	stileid.u32;
	s2 =	rddreg [dreg:$0x2];
	s4 =	simm.s32 $0x0  }
0x4: {  	s14 =	simm.s32 $0x400;
	s15 =	simm.s32 $0x1080;
	s16 =	simm.s32 $0xD400  }
0x5: {  	s17 =	simm.s32 $0x3;
	s18 =	simm.s32 $0x19700;
	s19 =	simm.s32 $0x1  }
0x6: {  	s20 =	simm.s32 $0x2;
	s21 =	simm.s32 $0x19780;
	s6 =	sand.u32 $0x1, s1  }
0x7: {  	s22 =	simm.s32 $0x19800;
	s31 =	sshll.u32 s0, $0x6;
	s3 =	sshll.u32 s6, $0x5  }
0x8: {  	s23 =	simm.s32 $0x0;
	s1 =	rddreg [dreg:$0x3];
	s3 =	sor.u32 s3, s31  }
0x9: {  	[smem:$0x7FF] =	sst s4;
	s11 =	ssub.s32 $0x2, s6;
	s10 =	sshrl.u32 s3, $0x3  }
0xa: {  	s5 =	sadd.s32 $0xC00, s8;
	s12 =	sshrl.u32 s11, $0x1;
	s7 =	smul.u32 $0xC3800, s10  }
0xb: {  	_ =	strace $0x80000047;
	s6 =	sadd.s32 $0xC38C00, s8;
	s12 =	ssub.s32 s11, s12  }
0xc: {  	s13 =	sadd.s32 s10, s8;
	s9 =	sadd.s32 s9, s10;
	s7 =	sshrl.u32 s7, $0x3  }
0xd: {  	s12 =	smax.u32 s12, $0x1;
	s10 =	sadd.s32 $0xC3CC00, s13;
	s7 =	sadd.s32 s5, s7  }
0xe: {  	s11 =	sadd.s32 $0xC3CE00, s13;
	s13 =	simm.s32 $0x80;
	s8 =	sadd.s32 $0xC380, s7  }
.LBB2_1:
0xf: {  	[tilespmem:s15], [sflag:$0x1] =	stream.strided.gather [hbm4b:s7+s13], $0xC380, s14, s13, $0x38;
	[tilespmem:$0x19880] =	vst v63  }
0x10: {  	_ = 	snop  }
0x11: {  	[tilespmem:s16], [sflag:$0x2] =	stream.strided.gather [hbm4b:s8+s13], $0xC300, s14, s13, $0x38;
	[tilespmem:$0x19880] =	vst v63  }
0x12: {  	_ = 	snop  }
0x13: {  	[tilespmem:s4], [sflag:$0x3] =	stream.linear.gather [hbm4b:s9+s4], $0x20, $0x38;
	[tilespmem:$0x19880] =	vst v63  }
0x14: {  	_ =	swait.ge [sflag:s17], $0x20  }
0x15: {  	[sflag:s17] =	ssyncset.done $0x0  }
0x16: {  	s24 =	simm.s32 $0x0;
	[sflag:s17] =	ssyncadd.s32 $0xFFFFFFE0  }
.LBB2_2:
0x17: {  	s25 =	sor.u32 s3, s24  }
0x18: {  	s26 =	sshll.u32 s24, $0x7;
	s25 =	sshrl.u32 s25, $0x3  }
0x19: {  	s26 =	sand.u32 $0x380, s26;
	s28 =	sshll.u32 s25, $0xE  }
0x1a: {  	s28 =	sor.u32 s26, s28  }
0x1b: {  	s28 =	sshrl.u32 s28, $0x3  }
0x1c: {  	s25 =	sshll.u32 s25, $0xA;
	s28 =	sadd.s32 s2, s28  }
0x1d: {  	[tilespmem:s13], [sflag:$0x3] =	stream.strided.gather [hbm4b:s28+s13], $0x800, s14, s13, $0x38;
	[tilespmem:$0x19880] =	vst v63  }
0x1e: {  	s25 =	sor.u32 s26, s25;
	_ =	swait.ge [sflag:s17], $0x800  }
0x1f: {  	s25 =	sshrl.u32 s25, $0x3;
	[sflag:s17] =	ssyncset.done $0x0  }
0x20: {  	s31 =	simm.s32 $0x0;
	v0 =	vmov s24;
	s25 =	sadd.s32 s6, s25;
	[sflag:s17] =	ssyncadd.s32 $0xFFFFF800  }
0x21: {  	[tilespmem:s18], [sflag:$0x3] =	stream.linear.gather [hbm4b:s25+s31], $0x80, $0x38;
	[tilespmem:$0x19880] =	vst v63  }
0x22: {  	_ =	swait.ge [sflag:s17], $0x80  }
0x23: {  	[sflag:s17] =	ssyncset.done $0x0  }
0x24: {  	[sflag:s17] =	ssyncadd.s32 $0xFFFFFF80  }
0x25: {  	v1 =	vld.idx.msk [tilespmem:v0+s31+$0x0], $0xffff;
	_ =	swait.ge [sflag:s19], $0xC380  }
0x26: {  	[sflag:s19] =	ssyncset.done $0x0  }
0x27: {  	s26 =	simm.s32 $0x0;
	[sflag:s19] =	ssyncadd.s32 $0xFFFF3C80  }
0x28: {  	v2 =	vld [tilespmem:s26+$0x80];
	_ =	sdelay $0x4  }
0x29: {  	vm1 =	vlt.s32 v2, $0xC380  }
0x2a: {  	s25 =	simm.s32 $0x10;
	v2 =	vnsel vm1, $0x0, v2  }
0x2b: {  	v6 =	vld [tilespmem:s25+$0x80];
	_ =	sdelay $0x2  }
0x2c: {  	v4 =	vld [tilespmem:s26+$0x880]  }
0x2d: {  	v5 =	vld.idx.msk [tilespmem:v2+s15+$0x0], $0xffff  }
0x2e: {  	vm0 =	vlt.s32 v6, $0xC380  }
0x2f: {  	v2 =	vnsel vm0, $0x0, v6  }
0x30: {  	v3 =	vimm.f32 $-Inf;
	s29 =	simm.s32 $0xC0;
	s28 =	simm.s32 $0x20;
	vm1 =	vmmov vm1  }
.LBB2_3:
0x31: {  	p0 =	sne.s32 s29, $0x1FC0;
	v6 =	vld [tilespmem:s28+$0x80]  }
0x32: {  	v4 =	vsel vm1, v5, v4;
	v5 =	vmax.f32 v3, v5  }
0x33: {  	[tilespmem:s26+$0x880] =	vst v4;
	v3 =	vsel vm1, v5, v3;
	vm1 =	vmmov vm0;
	s26 =	smov.u32 s25;
	s25 =	smov.u32 s28  }
.Ltmp0:
0x34: {  	v5 =	vld.idx.msk [tilespmem:v2+s15+$0x0], $0xffff;
	(pc) =	sbr.rel @p0 .LBB2_3-.Ltmp0, $4  }
0x35: {  	v4 =	vld [tilespmem:s26+$0x880]  }
0x36: {  	vm0 =	vlt.s32 v6, $0xC380  }
0x37: {  	v2 =	vnsel vm0, $0x0, v6  }
0x38: {  	s28 =	sshra.s32 s29, $0x2;
	s29 =	sadd.s32 $0x40, s29  }
0x39: {  	_ =	sdelay $0x1  }
0x3a: {  	v6 =	vld [tilespmem:s28+$0x80];
	v4 =	vsel vm1, v5, v4  }
0x3b: {  	[tilespmem:s26+$0x880] =	vst v4  }
0x3c: {  	v7 =	vld.idx.msk [tilespmem:v2+s15+$0x0], $0xffff  }
0x3d: {  	v2 =	vld [tilespmem:s25+$0x880];
	_ =	sdelay $0x1  }
0x3e: {  	vm3 =	vlt.s32 v6, $0xC380  }
0x3f: {  	v4 =	vnsel vm3, $0x0, v6  }
0x40: {  	vm2 =	vmmov vm0  }
0x41: {  	v2 =	vsel vm2, v7, v2  }
0x42: {  	[tilespmem:s25+$0x880] =	vst v2  }
0x43: {  	s24 =	sadd.s32 $0x1, s24;
	v2 =	vld [tilespmem:s28+$0x880]  }
0x44: {  	s26 =	smin.u32 s24, $0x1F;
	v6 =	vld.idx.msk [tilespmem:v4+s15+$0x0], $0xffff  }
0x45: {  	s25 =	sor.u32 s3, s26  }
0x46: {  	vm0 =	vlt.s32 v1, $0xC380;
	s25 =	sshrl.u32 s25, $0x3  }
0x47: {  	s26 =	sshll.u32 s26, $0x7;
	v4 =	vnsel vm0, $0x0, v1;
	s25 =	smul.u32 $0xC3800, s25  }
0x48: {  	vm3 =	vmmov vm3;
	s26 =	sand.u32 $0x380, s26  }
0x49: {  	s29 =	sor.u32 s26, s25;
	v2 =	vsel vm3, v6, v2  }
0x4a: {  	[tilespmem:s28+$0x880] =	vst v2;
	s28 =	sshrl.u32 s29, $0x3  }
0x4b: {  	s28 =	sadd.s32 s5, s28  }
0x4c: {  	v2 =	vld.idx.msk [tilespmem:v4+s15+$0x0], $0xffff;
	[tilespmem:s15], [sflag:$0x1] =	stream.strided.gather [hbm4b:s28+s13], $0xC380, s14, s13, $0x38  }
0x4d: {  	_ =	swait.ge [sflag:s20], $0xC300  }
0x4e: {  	[sflag:s20] =	ssyncset.done $0x0  }
0x4f: {  	s29 =	simm.s32 $0x0;
	[sflag:s20] =	ssyncadd.s32 $0xFFFF3D00  }
0x50: {  	v8 =	vld [tilespmem:s29+$0x80];
	_ =	sdelay $0x4  }
0x51: {  	vm4 =	vgt.s32 v8, $0x18680  }
0x52: {  	v4 =	vadd.s32 $0xFFFF3C80, v8;
	v9 =	vnsel vm4, $0x18680, v8  }
0x53: {  	vm15 =	vlt.u32 v4, $0xC300;
	v9 =	vadd.s32 $0xFFFE7980, v9  }
0x54: {  	v10 =	vnsel vm15, $0x0, v4;
	_ =	sdelay $0x1  }
0x55: {  	s28 =	simm.s32 $0x10  }
0x56: {  	v5 =	vmax.f32 v3, v5;
	v4 =	vld [tilespmem:s28+$0x80]  }
0x57: {  	v3 =	vsel vm1, v5, v3;
	v9 =	vld.idx.msk [tilespmem:v9+s18+$0x0], $0xffff  }
0x58: {  	v7 =	vmax.f32 v3, v7;
	v5 =	vld.idx.msk [tilespmem:v10+s16+$0x0], $0xffff  }
0x59: {  	v3 =	vsel vm2, v7, v3  }
0x5a: {  	v6 =	vmax.f32 v3, v6  }
0x5b: {  	v3 =	vsel vm3, v6, v3;
	v10 =	vld [tilespmem:s29+$0x880];
	vm1 =	vgt.s32 v4, $0x18680  }
0x5c: {  	vm2 =	vgt.s32 v8, $0x1867F;
	v6 =	vadd.s32 $0xFFFF3C80, v4;
	v7 =	vnsel vm1, $0x18680, v4  }
0x5d: {  	v7 =	vadd.s32 $0xFFFE7980, v7;
	v11 =	vsel vm2, v9, v5;
	vm2 =	vlt.u32 v6, $0xC300  }
0x5e: {  	vm1 =	vgt.s32 v8, $0xC37F;
	v8 =	vnsel vm2, $0x0, v6  }
0x5f: {  	s30 =	simm.s32 $0x20  }
0x60: {  	s31 =	simm.s32 $0xC0;
	v5 =	vld [tilespmem:s30+$0x80];
	v9 =	vsel vm1, v11, v10;
	v6 =	vmax.f32 v3, v11  }
.LBB2_5:
0x61: {  	p0 =	sne.s32 s31, $0x1FC0;
	[tilespmem:s29+$0x880] =	vst v9;
	v3 =	vsel vm1, v6, v3;
	s29 =	smov.u32 s28;
	s28 =	smov.u32 s30  }
0x62: {  	v6 =	vld.idx.msk [tilespmem:v7+s18+$0x0], $0xffff  }
0x63: {  	v9 =	vld.idx.msk [tilespmem:v8+s16+$0x0], $0xffff;
	_ =	sdelay $0x1  }
0x64: {  	vm1 =	vgt.s32 v5, $0x18680;
	v10 =	vld [tilespmem:s29+$0x880]  }
.Ltmp1:
0x65: {  	v8 =	vadd.s32 $0xFFFF3C80, v5;
	v7 =	vnsel vm1, $0x18680, v5;
	(pc) =	sbr.rel @p0 .LBB2_5-.Ltmp1, $4  }
0x66: {  	vm1 =	vlt.u32 v8, $0xC300;
	v7 =	vadd.s32 $0xFFFE7980, v7  }
0x67: {  	vm2 =	vgt.s32 v4, $0x1867F;
	v8 =	vnsel vm1, $0x0, v8  }
0x68: {  	s30 =	sshra.s32 s31, $0x2;
	vm1 =	vgt.s32 v4, $0xC37F;
	v4 =	vmov v5;
	v6 =	vsel vm2, v6, v9  }
0x69: {  	s31 =	sadd.s32 $0x40, s31;
	v5 =	vld [tilespmem:s30+$0x80];
	v9 =	vsel vm1, v6, v10;
	v6 =	vmax.f32 v3, v6  }
0x6a: {  	_ =	sdelay $0x2  }
0x6b: {  	[tilespmem:s29+$0x880] =	vst v9  }
0x6c: {  	v7 =	vld.idx.msk [tilespmem:v7+s18+$0x0], $0xffff  }
0x6d: {  	v8 =	vld.idx.msk [tilespmem:v8+s16+$0x0], $0xffff  }
0x6e: {  	v9 =	vld [tilespmem:s28+$0x880];
	vm2 =	vgt.s32 v5, $0x18680  }
0x6f: {  	v10 =	vadd.s32 $0xFFFF3C80, v5;
	v11 =	vnsel vm2, $0x18680, v5  }
0x70: {  	vm10 =	vlt.u32 v10, $0xC300;
	v11 =	vadd.s32 $0xFFFE7980, v11  }
0x71: {  	vm11 =	vgt.s32 v4, $0x1867F;
	v10 =	vnsel vm10, $0x0, v10  }
0x72: {  	vm3 =	vgt.s32 v4, $0xC37F;
	v4 =	vsel vm11, v7, v8  }
0x73: {  	v7 =	vsel vm3, v4, v9  }
0x74: {  	[tilespmem:s28+$0x880] =	vst v7  }
0x75: {  	v7 =	vld.idx.msk [tilespmem:v11+s18+$0x0], $0xffff  }
0x76: {  	v8 =	vld.idx.msk [tilespmem:v10+s16+$0x0], $0xffff  }
0x77: {  	v9 =	vld [tilespmem:s30+$0x880];
	v10 =	vadd.s32 $0xFFFF3C80, v1  }
0x78: {  	vm4 =	vgt.s32 v1, $0x18680;
	vm12 =	vlt.u32 v10, $0xC300  }
0x79: {  	v11 =	vnsel vm4, $0x18680, v1;
	v10 =	vnsel vm12, $0x0, v10  }
0x7a: {  	vm13 =	vgt.s32 v5, $0x1867F;
	v11 =	vadd.s32 $0xFFFE7980, v11  }
0x7b: {  	s25 =	sadd.s32 s26, s25;
	vm14 =	vgt.s32 v5, $0xC37F;
	v7 =	vsel vm13, v7, v8  }
0x7c: {  	s25 =	sadd.s32 $0x61C00, s25;
	v5 =	vsel vm14, v7, v9  }
0x7d: {  	s25 =	sshrl.u32 s25, $0x3;
	[tilespmem:s30+$0x880] =	vst v5  }
0x7e: {  	s31 =	simm.s32 $0x0;
	s25 =	sadd.s32 s5, s25;
	v5 =	vld.idx.msk [tilespmem:v10+s16+$0x0], $0xffff  }
0x7f: {  	v8 =	vld.idx.msk [tilespmem:v11+s18+$0x0], $0xffff;
	[tilespmem:s16], [sflag:$0x2] =	stream.strided.gather [hbm4b:s25+s13], $0xC300, s14, s13, $0x38  }
0x80: {  	v3 =	vsel vm1, v6, v3;
	v9 =	vld [tilespmem:s31+$0x880]  }
0x81: {  	v4 =	vmax.f32 v3, v4  }
0x82: {  	v2 =	vnsel vm0, $0x0, v2;
	v3 =	vsel vm3, v4, v3  }
0x83: {  	vm15 =	vgt.s32 v1, $0x1867F;
	v1 =	vsel vm12, v5, v2;
	v2 =	vmax.f32 v3, v7  }
0x84: {  	v7 =	vsel vm15, v8, v1;
	v1 =	vsel vm14, v2, v3  }
0x85: {  	v2 =	vsub.f32 v9, v7;
	(xrf0) =	vmax.scan.msk.f32 $0xffff, v1  }
0x86: {  	s26 =	simm.s32 $0x10  }
0x87: {  	v1 =	vmul.f32 $1.442695020e+00, v2;
	v2 =	vld [tilespmem:s26+$0x880];
	_ =	sdelay $0x3  }
0x88: {  	s28 =	simm.s32 $0x20;
	(erf) = vpow2.f32 v1;
	v3, _, _ =	vpop (xrf0)  }
0x89: {  	v1 =	vld [tilespmem:s28+$0x880];
	v6 =	vbroadcast v3, $0xF;
	v3 =	vsub.f32 v2, v7;
	_ =	sdelay $0x1  }
0x8a: {  	v3 =	vmul.f32 $1.442695020e+00, v3;
	_ =	sdelay $0x1  }
0x8b: {  	v4 =	vsub.f32 v9, v6;
	(erf) = vpow2.f32 v3  }
0x8c: {  	v5 =	vsub.f32 v1, v7  }
0x8d: {  	v4 =	vmul.f32 $1.442695020e+00, v4  }
0x8e: {  	s29 =	simm.s32 $0x30;
	v5 =	vmul.f32 $1.442695020e+00, v5  }
0x8f: {  	v3 =	vld [tilespmem:s29+$0x880];
	v8 =	vpop (erf);
	(erf) = vpow2.f32 v4  }
0x90: {  	v8 =	vadd.f32 $1.000000000e+00, v8;
	(erf) = vpow2.f32 v5  }
0x91: {  	s30 =	simm.s32 $0x40  }
0x92: {  	v4 =	vld [tilespmem:s30+$0x880];
	v5 =	vsub.f32 v2, v6;
	(erf) = vrcp.f32 v8;
	_ =	sdelay $0x1  }
0x93: {  	v8 =	vsub.f32 v3, v7;
	v5 =	vmul.f32 $1.442695020e+00, v5;
	v10 =	vpop (erf)  }
0x94: {  	v10 =	vadd.f32 $1.000000000e+00, v10  }
0x95: {  	v8 =	vmul.f32 $1.442695020e+00, v8;
	(erf) = vpow2.f32 v5;
	v5 =	vsub.f32 v1, v6  }
0x96: {  	v11 =	vsub.f32 v4, v7  }
0x97: {  	(erf) = vpow2.f32 v8;
	v5 =	vmul.f32 $1.442695020e+00, v5;
	v12 =	vpop (erf)  }
0x98: {  	v11 =	vmul.f32 $1.442695020e+00, v11;
	(erf) = vrcp.f32 v10;
	v10 =	vpop (erf)  }
0x99: {  	s31 =	simm.s32 $0x50;
	(erf) = vpow2.f32 v5;
	v15 =	vadd.f32 $1.000000000e+00, v10  }
0x9a: {  	v5 =	vld [tilespmem:s31+$0x880];
	v14 =	vpop (erf);
	(erf) = vpow2.f32 v11  }
0x9b: {  	v13 =	vmul.f32 v12, v9;
	(erf) = vrcp.f32 v15  }
0x9c: {  	v8 =	vimm.f32 $0.0e+00;
	v14 =	vmul.f32 v14, v12  }
0x9d: {  	v10 =	vadd.f32 v12, v8;
	v11 =	vmul.f32 v13, v9  }
0x9e: {  	s25 =	simm.s32 $0x180;
	v12 =	vsub.f32 v3, v6;
	v9 =	vadd.f32 v14, v8  }
.LBB2_7:
0x9f: {  	s26 =	sshra.s32 s25, $0x2;
	v13 =	vsub.f32 v5, v7;
	v14 =	vpop (erf);
	v8 =	vadd.f32 v11, v8;
	v15 =	vmov v5;
	p0 =	sne.s32 s25, $0x1FC0  }
.Ltmp2:
0xa0: {  	s25 =	sadd.s32 $0x40, s25;
	v5 =	vld [tilespmem:s26+$0x880];
	v11 =	vmul.f32 $1.442695020e+00, v12;
	v12 =	vpop (erf);
	v10 =	vadd.f32 v14, v10;
	v16 =	vmul.f32 v14, v2;
	(pc) =	sbr.rel @p0 .LBB2_7-.Ltmp2, $4  }
0xa1: {  	v13 =	vmul.f32 $1.442695020e+00, v13;
	v17 =	vpop (erf)  }
0xa2: {  	v18 =	vadd.f32 $1.000000000e+00, v12;
	(erf) = vpow2.f32 v11;
	v14 =	vmul.f32 v17, v14  }
0xa3: {  	v11 =	vmul.f32 v16, v2;
	v2 =	vmovc v1;
	v1 =	vmovc v3;
	v3 =	vmov v4;
	(erf) = vpow2.f32 v13  }
0xa4: {  	v4 =	vmovc v15;
	v12 =	vsub.f32 v3, v6;
	(erf) = vrcp.f32 v18;
	v9 =	vadd.f32 v14, v9  }
0xa5: {  	_ =	sdelay $0x2  }
0xa6: {  	v7 =	vsub.f32 v5, v7;
	v13 =	vpop (erf)  }
0xa7: {  	v12 =	vmul.f32 $1.442695020e+00, v12;
	v14 =	vpop (erf)  }
0xa8: {  	v16 =	vsub.f32 v4, v6;
	v7 =	vmul.f32 $1.442695020e+00, v7;
	v15 =	vpop (erf)  }
0xa9: {  	v14 =	vadd.f32 $1.000000000e+00, v14;
	(erf) = vpow2.f32 v12;
	v36 =	vpop (erf)  }
0xaa: {  	v39 =	vsub.f32 v5, v6;
	v37 =	vmul.f32 $1.442695020e+00, v16;
	(erf) = vpow2.f32 v7;
	v38 =	vpop (erf)  }
0xab: {  	(erf) = vrcp.f32 v14;
	v40 =	vadd.f32 $1.000000000e+00, v38  }
0xac: {  	v6 =	vmul.f32 $1.442695020e+00, v39;
	(erf) = vpow2.f32 v37  }
0xad: {  	(erf) = vrcp.f32 v40  }
0xae: {  	(erf) = vpow2.f32 v6;
	_ =	sdelay $0x1  }
0xaf: {  	v41 =	vadd.f32 v13, v10  }
0xb0: {  	v42 =	vpop (erf)  }
0xb1: {  	v6 =	vadd.f32 v36, v41;
	v43 =	vpop (erf)  }
0xb2: {  	v44 =	vpop (erf)  }
0xb3: {  	v6 =	vadd.f32 v43, v6;
	v45 =	vpop (erf);
	v14 =	vadd.f32 $1.000000000e+00, v44  }
0xb4: {  	v17 =	vpop (erf)  }
0xb5: {  	(erf) = vrcp.f32 v14;
	v6 =	vadd.f32 v17, v6;
	v46 =	vpop (erf)  }
0xb6: {  	v18 =	vmul.f32 v13, v2;
	v19 =	vpop (erf)  }
0xb7: {  	v13 =	vmul.f32 v15, v13;
	v6 =	vadd.f32 v19, v6  }
0xb8: {  	v8 =	vadd.f32 v11, v8;
	v2 =	vmul.f32 v18, v2;
	v47 =	vmul.f32 v36, v1  }
0xb9: {  	v9 =	vadd.f32 v13, v9;
	v7 =	vmul.f32 v42, v36;
	(xrf2) =	vadd.scan.msk.f32 $0xffff, v6  }
0xba: {  	v2 =	vadd.f32 v2, v8;
	v1 =	vmul.f32 v47, v1;
	v48 =	vmul.f32 v43, v3  }
0xbb: {  	v7 =	vadd.f32 v7, v9;
	v49 =	vmul.f32 v45, v43  }
0xbc: {  	v1 =	vadd.f32 v1, v2;
	v50 =	vmul.f32 v48, v3;
	v51 =	vmul.f32 v17, v4  }
0xbd: {  	v52 =	vadd.f32 v49, v7;
	v53 =	vmul.f32 v46, v17  }
0xbe: {  	v1 =	vadd.f32 v50, v1;
	v54 =	vmul.f32 v51, v4;
	v55 =	vmul.f32 v19, v5;
	v56 =	vpop (erf)  }
0xbf: {  	v6 =	vadd.f32 v53, v52;
	v4 =	vmul.f32 v56, v19  }
0xc0: {  	v1 =	vadd.f32 v54, v1;
	v57 =	vmul.f32 v55, v5  }
0xc1: {  	v58 =	vadd.f32 v4, v6  }
0xc2: {  	v1 =	vadd.f32 v57, v1  }
0xc3: {  	v59, _, _ =	vpop (xrf2);
	(xrf2) =	vadd.scan.msk.f32 $0xffff, v58  }
0xc4: {  	(xrf2) =	vadd.scan.msk.f32 $0xffff, v1;
	v60 =	vbroadcast v59, $0xF;
	_ =	sdelay $0x1  }
0xc5: {  	(erf) = vrcp.f32 v60;
	_ =	sdelay $0x6  }
0xc6: {  	v61, _, _ =	vpop (xrf2)  }
0xc7: {  	p0 =	sne.s32 s24, $0x20;
	v62, _, _ =	vpop (xrf2);
	v1 =	vbroadcast v61, $0xF  }
.Ltmp3:
0xc8: {  	v63 =	vpop (erf);
	v2 =	vbroadcast v62, $0xF;
	(pc) =	sbr.rel @p0 .LBB2_2-.Ltmp3, $4  }
0xc9: {  	v1 =	vmul.f32 v63, v1  }
0xca: {  	v2 =	vmul.f32 v2, v63  }
0xcb: {  	[tilespmem:v0+s21+$0x0] =	vst.idx.msk $0x1, v1  }
0xcc: {  	[tilespmem:v0+s22+$0x0] =	vst.idx.msk $0x1, v2  }
0xcd: {  	_ =	swait.ge [sflag:s19], $0xC380  }
0xce: {  	[sflag:s19] =	ssyncset.done $0x0  }
0xcf: {  	[sflag:s19] =	ssyncadd.s32 $0xFFFF3C80  }
0xd0: {  	_ =	swait.ge [sflag:s20], $0xC300  }
0xd1: {  	[sflag:s20] =	ssyncset.done $0x0  }
0xd2: {  	[sflag:s20] =	ssyncadd.s32 $0xFFFF3D00  }
0xd3: {  	[hbm4b:s10+s4] =	stream.linear.scatter [tilespmem:s21], [sflag:$0x3], $0x20, $0x38;
	[tilespmem:$0x19880] =	vst v63  }
0xd4: {  	s23 =	sadd.s32 $0x1, s23;
	_ =	swait.ge [sflag:s17], $0x20  }
0xd5: {  	p0 =	sne.s32 s23, s12;
	[sflag:s17] =	ssyncset.done $0x0  }
.Ltmp4:
0xd6: {  	[sflag:s17] =	ssyncadd.s32 $0xFFFFFFE0;
	(pc) =	sbr.rel @p0 .LBB2_1-.Ltmp4, $4  }
0xd7: {  	[hbm4b:s11+s4] =	stream.linear.scatter [tilespmem:s22], [sflag:$0x3], $0x20, $0x38;
	[tilespmem:$0x19880] =	vst v63  }
0xd8: {  	_ =	swait.ge [sflag:s17], $0x20  }
0xd9: {  	[sflag:s17] =	ssyncset.done $0x0  }
0xda: {  	[sflag:s17] =	ssyncadd.s32 $0xFFFFFFE0  }
0xdb: {  	_ =	sfence.sel $0x180000  }
0xdc: {  	[bflag:$0x0] =	sbarrier.arrive $0xFFFF  }
0xdd: {  	p0 =	sne.s32 s0, $0x0;
	_ =	strace $0x90000047  }
0xde: {  	s0 =	sadd.s32 @!p0 $0x100000, s1;
	[bflag:$0x2] =	sbarrier.arrive $0xFFFF  }
0xdf: {  	[sflag:s0] =	ssyncadd.tile.s32 @!p0 $0x1;
	_ =	shalt  }
.Lfunc_end2:
_tile_overlayer_lowered:
.L_overlay_start_2:
0xe0: {  	(tag) =	ssettag $0x2  }
0xe1: {  	s0 =	rddreg [dreg:$0x0];
	s2 =	stileid.u32  }
0xe2: {  	s1 =	rddreg [dreg:$0x1];
	p0 =	sne.s32 s2, $0x0  }
0xe3: {  	s3 =	rddreg [dreg:$0x2];
	[bflag:$0x3] =	sbarrier.arrive $0xFFFF;
	s2 =	simm.s32 @!p0 $0x1C03  }
0xe4: {  	[timem:s3], [sflag:s2] =	dma.local @!p0 [hbm:s0], s1  }
0xe5: {  	s0 =	simm.s32 @!p0 $0x3  }
0xe6: {  	_ =	swait.ge @!p0 [sflag:s0], s1  }
0xe7: {  	s1 =	ssub.s32 @!p0 $0x0, s1;
	[sflag:s0] =	ssyncset.done @!p0 $0x0  }
0xe8: {  	[sflag:s0] =	ssyncadd.s32 @!p0 s1  }
0xe9: {  	[bflag:$0x3] =	sbarrier.arrive $0xFFFF  }
0xea: {  	_ =	shalt  }

</sc_bundles>
